<compile_context>
chip_gen: v7x
topology: tpu7x:2x2x1
jax: 0.10.2.dev20260603
libtpu: 0.0.44.dev20260713+nightly
codegen_flags: <defaults>
</compile_context>

<pallas_src>
import functools
import math

import jax
import jax.numpy as jnp
from jax import lax
from jax.experimental import pallas as pl
from jax.experimental.pallas import tpu as pltpu
from jax.experimental.pallas import tpu_sc as plsc

_SIZE = 32000
_N_TOK = 4096
_SMOOTHING = 0.1
_CONF = 1.0 - _SMOOTHING
_EPS = _SMOOTHING / (_SIZE - 2)
_C_ROW = (_SIZE - 2) * _EPS * math.log(_EPS) + _CONF * math.log(_CONF)

_BR = 512
_BC = 6400

_NC = 2
_NS = 16
_NW = _NC * _NS
_B_PER_W = _N_TOK // _NW


_sc_mesh = plsc.VectorSubcoreMesh(core_axis_name="c", subcore_axis_name="s")


@functools.partial(
    pl.kernel,
    mesh=_sc_mesh,
    out_type=jax.ShapeDtypeStruct((_NW * 16,), jnp.float32),
    scratch_types=[
        pltpu.VMEM((_B_PER_W,), jnp.int32),
        pltpu.VMEM((_B_PER_W,), jnp.float32),
        pltpu.VMEM((16,), jnp.float32),
        pltpu.SemaphoreType.DMA,
    ],
)
def _sc_gather(xflat_hbm, tgt_hbm, out_hbm, idx_v, g_v, acc_v, sem):
    wid = lax.axis_index("s") * _NC + lax.axis_index("c")
    base = wid * _B_PER_W
    pltpu.sync_copy(tgt_hbm.at[pl.ds(base, _B_PER_W)], idx_v)
    for j in range(_B_PER_W // 16):
        t = idx_v[pl.ds(j * 16, 16)]
        row = base + j * 16 + lax.iota(jnp.int32, 16)
        idx_v[pl.ds(j * 16, 16)] = row * _SIZE + t
    pltpu.async_copy(xflat_hbm.at[idx_v], g_v, sem).wait()
    acc = jnp.zeros((16,), jnp.float32)
    for j in range(_B_PER_W // 16):
        idx = idx_v[pl.ds(j * 16, 16)]
        row = base + j * 16 + lax.iota(jnp.int32, 16)
        pad = idx == row * _SIZE
        acc = acc + jnp.where(pad, jnp.zeros((16,), jnp.float32),
                              g_v[pl.ds(j * 16, 16)])
    acc_v[...] = acc
    pltpu.sync_copy(acc_v, out_hbm.at[pl.ds(wid * 16, 16)])


def _tc_body(x_ref, t_ref, out_ref):
    i = pl.program_id(0)
    j = pl.program_id(1)

    @pl.when((i == 0) & (j == 0))
    def _init():
        out_ref[0, 0] = 0.0

    t = t_ref[...]
    mask = t != 0
    x = x_ref[...]

    s = jnp.sum(jnp.where(mask, x, 0.0))
    out_ref[0, 0] += -_EPS * s

    @pl.when(j == 0)
    def _col0():
        x0 = x[:, 0:1]
        out_ref[0, 0] += jnp.sum(jnp.where(mask, _C_ROW + _EPS * x0, 0.0))


def _combine_body(p_ref, sc_ref, out_ref):
    out_ref[0, 0] = p_ref[0, 0] + (_EPS - _CONF) * jnp.sum(sc_ref[...])


@functools.partial(
    pl.kernel,
    mesh=_sc_mesh,
    out_type=jax.ShapeDtypeStruct((_NW * 16,), jnp.float32),
    scratch_types=[
        pltpu.VMEM((_B_PER_W,), jnp.int32),
        pltpu.VMEM((_B_PER_W, 128), jnp.float32),
        pltpu.VMEM((16,), jnp.float32),
        pltpu.SemaphoreType.DMA,
    ],
)
def _sc_probe128(x128_hbm, tgt_hbm, out_hbm, idx_v, buf_v, acc_v, sem):
    wid = lax.axis_index("s") * _NC + lax.axis_index("c")
    base = wid * _B_PER_W
    pltpu.sync_copy(tgt_hbm.at[pl.ds(base, _B_PER_W)], idx_v)
    for j in range(_B_PER_W // 16):
        t = idx_v[pl.ds(j * 16, 16)]
        row = base + j * 16 + lax.iota(jnp.int32, 16)
        idx_v[pl.ds(j * 16, 16)] = row * 250 + lax.shift_right_logical(t, 7)
    pltpu.async_copy(x128_hbm.at[idx_v], buf_v, sem).wait()
    acc_v[...] = buf_v[0, pl.ds(0, 16)]
    pltpu.sync_copy(acc_v, out_hbm.at[pl.ds(wid * 16, 16)])


def kernel(x, target):
    return _sc_probe128(x.reshape(_N_TOK * 250, 128), target).sum()


def _unused_kernel(x, target):
    sc_part = _sc_gather(x.reshape(-1), target)

    t2 = target.reshape(_N_TOK, 1)
    partial = pl.pallas_call(
        _tc_body,
        grid=(_N_TOK // _BR, _SIZE // _BC),
        in_specs=[
            pl.BlockSpec((_BR, _BC), lambda i, j: (i, j)),
            pl.BlockSpec((_BR, 1), lambda i, j: (i, 0)),
        ],
        out_specs=pl.BlockSpec((1, 1), lambda i, j: (0, 0),
                               memory_space=pltpu.SMEM),
        out_shape=jax.ShapeDtypeStruct((1, 1), jnp.float32),
    )(x, t2)

    loss = pl.pallas_call(
        _combine_body,
        in_specs=[
            pl.BlockSpec(memory_space=pltpu.SMEM),
            pl.BlockSpec((4, 128), lambda: (0, 0)),
        ],
        out_specs=pl.BlockSpec(memory_space=pltpu.SMEM),
        out_shape=jax.ShapeDtypeStruct((1, 1), jnp.float32),
    )(partial, sc_part.reshape(4, 128))
    return loss[0, 0]

# --- scband reference (transcript-rebuilt; emitter-appended) ---
"""Pipeline reference for scband-label-smoothing-8237747274068 (READ-ONLY COPY).

The authoritative reference and input builder live on the scoring server;
editing this copy changes nothing except your own understanding.
"""

import jax, jax.numpy as jnp
import numpy as np

SIZE = 32000
PADDING_IDX = 0
SMOOTHING = 0.1
CONFIDENCE = 1.0 - SMOOTHING
N_TOK = 4096


def setup_inputs(seed: int = 0) -> dict:
    key = jax.random.key(seed)
    k1, k2 = jax.random.split(key)
    x = jax.random.normal(k1, (N_TOK, SIZE), dtype=jnp.float32)
    target = jax.random.randint(k2, (N_TOK,), 0, SIZE, dtype=jnp.int32)
    return {"x": x, "target": target}


def reference(x, target):
    n = x.shape[0]
    size = x.shape[1]
    # true_dist = x.data.clone(); fill_(smoothing / (size - 2))
    true_dist = jnp.full((n, size), SMOOTHING / (size - 2), dtype=x.dtype)
    # scatter_(1, target.unsqueeze(1), confidence)
    true_dist = true_dist.at[jnp.arange(n), target].set(jnp.asarray(CONFIDENCE, dtype=x.dtype))
    # true_dist[:, padding_idx] = 0
    true_dist = true_dist.at[:, PADDING_IDX].set(0.0)
    # index_fill_(0, nonzero(target == padding_idx), 0.0)
    row_mask = (target == PADDING_IDX)
    true_dist = jnp.where(row_mask[:, None], jnp.zeros_like(true_dist), true_dist)
    # KLDivLoss(size_average=False): sum over all elements of t * (log(t) - x), with 0*log(0) = 0
    safe_t = jnp.where(true_dist > 0, true_dist, jnp.ones_like(true_dist))
    pointwise = jnp.where(true_dist > 0, true_dist * (jnp.log(safe_t) - x), jnp.zeros_like(true_dist))
    loss = jnp.sum(pointwise)
    return loss

if __name__ == "__main__":
    import jax
    _d = setup_inputs()
    print(jax.jit(kernel)(*tuple(_d.values())))

</pallas_src>

<mosaic_0001>
#map = affine_map<(d0, d1) -> (0, 0)>
#map1 = affine_map<(d0, d1) -> (0)>
module attributes {stable_mosaic.version = 14 : i64} {
  func.func @_sc_probe128(%arg0: i32, %arg1: i32, %arg2: memref<1024000x128xf32, #tpu.memory_space<hbm>>, %arg3: memref<4096xi32, #tpu.memory_space<hbm>>, %arg4: memref<512xf32, #tpu.memory_space<hbm>>, %arg5: memref<128xi32, #tpu.memory_space<vmem>>, %arg6: memref<128x128xf32, #tpu.memory_space<vmem>>, %arg7: memref<16xf32, #tpu.memory_space<vmem>>, %arg8: memref<!tpu.dma_semaphore, #tpu.memory_space<semaphore_mem>>) attributes {dimension_semantics = [#tpu.dimension_semantics<core_parallel>, #tpu.dimension_semantics<subcore_parallel>], iteration_bounds = array<i64: 2, 16>, scalar_prefetch = 0 : i64, scratch_operands = 4 : i64, tpu.core_type = #tpu.core_type<sc_vector_subcore>, window_params = [{transform_indices = #map}, {transform_indices = #map1}, {transform_indices = #map1}]} {
    %mul3A = arith.constant 2 : i32
    %mul3A_0 = arith.muli %arg1, %mul3A : i32
    %add3A = arith.addi %mul3A_0, %arg0 : i32
    %mul3A_1 = arith.constant 128 : i32
    %mul3A_2 = arith.muli %add3A, %mul3A_1 : i32
    "tpu.region"() ({
      %run_scoped3A = tpu.sem_alloc : memref<!tpu.dma_semaphore, #tpu.memory_space<semaphore_mem>>
      %dma_start3A_166 = tpu.memref_slice %arg3[%mul3A_2] : memref<4096xi32, #tpu.memory_space<hbm>> -> memref<128xi32, #tpu.memory_space<hbm>>
      %dma_start3A_167 = tpu.memref_slice %arg3[%mul3A_2] : memref<4096xi32, #tpu.memory_space<hbm>> -> memref<128xi32, #tpu.memory_space<hbm>>
      tpu.enqueue_dma source(%dma_start3A_167 : memref<128xi32, #tpu.memory_space<hbm>>) target(%arg5 : memref<128xi32, #tpu.memory_space<vmem>>) target_semaphore(%run_scoped3A : memref<!tpu.dma_semaphore, #tpu.memory_space<semaphore_mem>>)
      %dma_wait3A_168 = tpu.memref_slice %arg3[%mul3A_2] : memref<4096xi32, #tpu.memory_space<hbm>> -> memref<128xi32, #tpu.memory_space<hbm>>
      %dma_wait3A_169 = tpu.memref_slice %arg3[%mul3A_2] : memref<4096xi32, #tpu.memory_space<hbm>> -> memref<128xi32, #tpu.memory_space<hbm>>
      tpu.wait_dma2 semaphore(%run_scoped3A : memref<!tpu.dma_semaphore, #tpu.memory_space<semaphore_mem>>) src(%dma_wait3A_169 : memref<128xi32, #tpu.memory_space<hbm>>) dst(%arg5 : memref<128xi32, #tpu.memory_space<vmem>>)
      tpu.yield
    }) : () -> ()
    %get3A = arith.constant 0 : index
    %get3A_3 = tpu.vector_load %arg5[%get3A] {strides = array<i32>} : memref<128xi32, #tpu.memory_space<vmem>>, vector<16xi32>,
    %get3A_4 = vector.shape_cast %get3A_3 : vector<16xi32> to vector<16xi32>
    %add3A_5 = arith.constant 0 : i32
    %add3A_6 = arith.addi %mul3A_2, %add3A_5 : i32
    %iota3A = tpu.iota {dimensions = array<i32: 0>} : vector<16xi32>
    %add3A_7 = vector.broadcast %add3A_6 : i32 to vector<16xi32>
    %add3A_8 = arith.addi %add3A_7, %iota3A : vector<16xi32>
    %mul3A_9 = arith.constant 250 : i32
    %mul3A_10 = vector.broadcast %mul3A_9 : i32 to vector<16xi32>
    %mul3A_11 = arith.muli %add3A_8, %mul3A_10 : vector<16xi32>
    %shift_right_logical3A = arith.constant 7 : i32
    %shift_right_logical3A_12 = vector.broadcast %shift_right_logical3A : i32 to vector<16xi32>
    %shift_right_logical3A_13 = arith.shrui %get3A_4, %shift_right_logical3A_12 : vector<16xi32>
    %add3A_14 = arith.addi %mul3A_11, %shift_right_logical3A_13 : vector<16xi32>
    %swap3A = arith.constant 0 : index
    %swap3A_15 = tpu.vector_load %arg5[%swap3A] {strides = array<i32>} : memref<128xi32, #tpu.memory_space<vmem>>, vector<16xi32>,
    %swap3A_16 = vector.shape_cast %swap3A_15 : vector<16xi32> to vector<16xi32>
    %swap3A_17 = vector.shape_cast %add3A_14 : vector<16xi32> to vector<16xi32>
    tpu.vector_store %arg5[%swap3A], %swap3A_17 {strides = array<i32>} : memref<128xi32, #tpu.memory_space<vmem>>, vector<16xi32>,
    %get3A_18 = arith.constant 16 : index
    %get3A_19 = tpu.vector_load %arg5[%get3A_18] {strides = array<i32>} : memref<128xi32, #tpu.memory_space<vmem>>, vector<16xi32>,
    %get3A_20 = vector.shape_cast %get3A_19 : vector<16xi32> to vector<16xi32>
    %add3A_21 = arith.constant 16 : i32
    %add3A_22 = arith.addi %mul3A_2, %add3A_21 : i32
    %iota3A_23 = tpu.iota {dimensions = array<i32: 0>} : vector<16xi32>
    %add3A_24 = vector.broadcast %add3A_22 : i32 to vector<16xi32>
    %add3A_25 = arith.addi %add3A_24, %iota3A_23 : vector<16xi32>
    %mul3A_26 = arith.constant 250 : i32
    %mul3A_27 = vector.broadcast %mul3A_26 : i32 to vector<16xi32>
    %mul3A_28 = arith.muli %add3A_25, %mul3A_27 : vector<16xi32>
    %shift_right_logical3A_29 = arith.constant 7 : i32
    %shift_right_logical3A_30 = vector.broadcast %shift_right_logical3A_29 : i32 to vector<16xi32>
    %shift_right_logical3A_31 = arith.shrui %get3A_20, %shift_right_logical3A_30 : vector<16xi32>
    %add3A_32 = arith.addi %mul3A_28, %shift_right_logical3A_31 : vector<16xi32>
    %swap3A_33 = arith.constant 16 : index
    %swap3A_34 = tpu.vector_load %arg5[%swap3A_33] {strides = array<i32>} : memref<128xi32, #tpu.memory_space<vmem>>, vector<16xi32>,
    %swap3A_35 = vector.shape_cast %swap3A_34 : vector<16xi32> to vector<16xi32>
    %swap3A_36 = vector.shape_cast %add3A_32 : vector<16xi32> to vector<16xi32>
    tpu.vector_store %arg5[%swap3A_33], %swap3A_36 {strides = array<i32>} : memref<128xi32, #tpu.memory_space<vmem>>, vector<16xi32>,
    %get3A_37 = arith.constant 32 : index
    %get3A_38 = tpu.vector_load %arg5[%get3A_37] {strides = array<i32>} : memref<128xi32, #tpu.memory_space<vmem>>, vector<16xi32>,
    %get3A_39 = vector.shape_cast %get3A_38 : vector<16xi32> to vector<16xi32>
    %add3A_40 = arith.constant 32 : i32
    %add3A_41 = arith.addi %mul3A_2, %add3A_40 : i32
    %iota3A_42 = tpu.iota {dimensions = array<i32: 0>} : vector<16xi32>
    %add3A_43 = vector.broadcast %add3A_41 : i32 to vector<16xi32>
    %add3A_44 = arith.addi %add3A_43, %iota3A_42 : vector<16xi32>
    %mul3A_45 = arith.constant 250 : i32
    %mul3A_46 = vector.broadcast %mul3A_45 : i32 to vector<16xi32>
    %mul3A_47 = arith.muli %add3A_44, %mul3A_46 : vector<16xi32>
    %shift_right_logical3A_48 = arith.constant 7 : i32
    %shift_right_logical3A_49 = vector.broadcast %shift_right_logical3A_48 : i32 to vector<16xi32>
    %shift_right_logical3A_50 = arith.shrui %get3A_39, %shift_right_logical3A_49 : vector<16xi32>
    %add3A_51 = arith.addi %mul3A_47, %shift_right_logical3A_50 : vector<16xi32>
    %swap3A_52 = arith.constant 32 : index
    %swap3A_53 = tpu.vector_load %arg5[%swap3A_52] {strides = array<i32>} : memref<128xi32, #tpu.memory_space<vmem>>, vector<16xi32>,
    %swap3A_54 = vector.shape_cast %swap3A_53 : vector<16xi32> to vector<16xi32>
    %swap3A_55 = vector.shape_cast %add3A_51 : vector<16xi32> to vector<16xi32>
    tpu.vector_store %arg5[%swap3A_52], %swap3A_55 {strides = array<i32>} : memref<128xi32, #tpu.memory_space<vmem>>, vector<16xi32>,
    %get3A_56 = arith.constant 48 : index
    %get3A_57 = tpu.vector_load %arg5[%get3A_56] {strides = array<i32>} : memref<128xi32, #tpu.memory_space<vmem>>, vector<16xi32>,
    %get3A_58 = vector.shape_cast %get3A_57 : vector<16xi32> to vector<16xi32>
    %add3A_59 = arith.constant 48 : i32
    %add3A_60 = arith.addi %mul3A_2, %add3A_59 : i32
    %iota3A_61 = tpu.iota {dimensions = array<i32: 0>} : vector<16xi32>
    %add3A_62 = vector.broadcast %add3A_60 : i32 to vector<16xi32>
    %add3A_63 = arith.addi %add3A_62, %iota3A_61 : vector<16xi32>
    %mul3A_64 = arith.constant 250 : i32
    %mul3A_65 = vector.broadcast %mul3A_64 : i32 to vector<16xi32>
    %mul3A_66 = arith.muli %add3A_63, %mul3A_65 : vector<16xi32>
    %shift_right_logical3A_67 = arith.constant 7 : i32
    %shift_right_logical3A_68 = vector.broadcast %shift_right_logical3A_67 : i32 to vector<16xi32>
    %shift_right_logical3A_69 = arith.shrui %get3A_58, %shift_right_logical3A_68 : vector<16xi32>
    %add3A_70 = arith.addi %mul3A_66, %shift_right_logical3A_69 : vector<16xi32>
    %swap3A_71 = arith.constant 48 : index
    %swap3A_72 = tpu.vector_load %arg5[%swap3A_71] {strides = array<i32>} : memref<128xi32, #tpu.memory_space<vmem>>, vector<16xi32>,
    %swap3A_73 = vector.shape_cast %swap3A_72 : vector<16xi32> to vector<16xi32>
    %swap3A_74 = vector.shape_cast %add3A_70 : vector<16xi32> to vector<16xi32>
    tpu.vector_store %arg5[%swap3A_71], %swap3A_74 {strides = array<i32>} : memref<128xi32, #tpu.memory_space<vmem>>, vector<16xi32>,
    %get3A_75 = arith.constant 64 : index
    %get3A_76 = tpu.vector_load %arg5[%get3A_75] {strides = array<i32>} : memref<128xi32, #tpu.memory_space<vmem>>, vector<16xi32>,
    %get3A_77 = vector.shape_cast %get3A_76 : vector<16xi32> to vector<16xi32>
    %add3A_78 = arith.constant 64 : i32
    %add3A_79 = arith.addi %mul3A_2, %add3A_78 : i32
    %iota3A_80 = tpu.iota {dimensions = array<i32: 0>} : vector<16xi32>
    %add3A_81 = vector.broadcast %add3A_79 : i32 to vector<16xi32>
    %add3A_82 = arith.addi %add3A_81, %iota3A_80 : vector<16xi32>
    %mul3A_83 = arith.constant 250 : i32
    %mul3A_84 = vector.broadcast %mul3A_83 : i32 to vector<16xi32>
    %mul3A_85 = arith.muli %add3A_82, %mul3A_84 : vector<16xi32>
    %shift_right_logical3A_86 = arith.constant 7 : i32
    %shift_right_logical3A_87 = vector.broadcast %shift_right_logical3A_86 : i32 to vector<16xi32>
    %shift_right_logical3A_88 = arith.shrui %get3A_77, %shift_right_logical3A_87 : vector<16xi32>
    %add3A_89 = arith.addi %mul3A_85, %shift_right_logical3A_88 : vector<16xi32>
    %swap3A_90 = arith.constant 64 : index
    %swap3A_91 = tpu.vector_load %arg5[%swap3A_90] {strides = array<i32>} : memref<128xi32, #tpu.memory_space<vmem>>, vector<16xi32>,
    %swap3A_92 = vector.shape_cast %swap3A_91 : vector<16xi32> to vector<16xi32>
    %swap3A_93 = vector.shape_cast %add3A_89 : vector<16xi32> to vector<16xi32>
    tpu.vector_store %arg5[%swap3A_90], %swap3A_93 {strides = array<i32>} : memref<128xi32, #tpu.memory_space<vmem>>, vector<16xi32>,
    %get3A_94 = arith.constant 80 : index
    %get3A_95 = tpu.vector_load %arg5[%get3A_94] {strides = array<i32>} : memref<128xi32, #tpu.memory_space<vmem>>, vector<16xi32>,
    %get3A_96 = vector.shape_cast %get3A_95 : vector<16xi32> to vector<16xi32>
    %add3A_97 = arith.constant 80 : i32
    %add3A_98 = arith.addi %mul3A_2, %add3A_97 : i32
    %iota3A_99 = tpu.iota {dimensions = array<i32: 0>} : vector<16xi32>
    %add3A_100 = vector.broadcast %add3A_98 : i32 to vector<16xi32>
    %add3A_101 = arith.addi %add3A_100, %iota3A_99 : vector<16xi32>
    %mul3A_102 = arith.constant 250 : i32
    %mul3A_103 = vector.broadcast %mul3A_102 : i32 to vector<16xi32>
    %mul3A_104 = arith.muli %add3A_101, %mul3A_103 : vector<16xi32>
    %shift_right_logical3A_105 = arith.constant 7 : i32
    %shift_right_logical3A_106 = vector.broadcast %shift_right_logical3A_105 : i32 to vector<16xi32>
    %shift_right_logical3A_107 = arith.shrui %get3A_96, %shift_right_logical3A_106 : vector<16xi32>
    %add3A_108 = arith.addi %mul3A_104, %shift_right_logical3A_107 : vector<16xi32>
    %swap3A_109 = arith.constant 80 : index
    %swap3A_110 = tpu.vector_load %arg5[%swap3A_109] {strides = array<i32>} : memref<128xi32, #tpu.memory_space<vmem>>, vector<16xi32>,
    %swap3A_111 = vector.shape_cast %swap3A_110 : vector<16xi32> to vector<16xi32>
    %swap3A_112 = vector.shape_cast %add3A_108 : vector<16xi32> to vector<16xi32>
    tpu.vector_store %arg5[%swap3A_109], %swap3A_112 {strides = array<i32>} : memref<128xi32, #tpu.memory_space<vmem>>, vector<16xi32>,
    %get3A_113 = arith.constant 96 : index
    %get3A_114 = tpu.vector_load %arg5[%get3A_113] {strides = array<i32>} : memref<128xi32, #tpu.memory_space<vmem>>, vector<16xi32>,
    %get3A_115 = vector.shape_cast %get3A_114 : vector<16xi32> to vector<16xi32>
    %add3A_116 = arith.constant 96 : i32
    %add3A_117 = arith.addi %mul3A_2, %add3A_116 : i32
    %iota3A_118 = tpu.iota {dimensions = array<i32: 0>} : vector<16xi32>
    %add3A_119 = vector.broadcast %add3A_117 : i32 to vector<16xi32>
    %add3A_120 = arith.addi %add3A_119, %iota3A_118 : vector<16xi32>
    %mul3A_121 = arith.constant 250 : i32
    %mul3A_122 = vector.broadcast %mul3A_121 : i32 to vector<16xi32>
    %mul3A_123 = arith.muli %add3A_120, %mul3A_122 : vector<16xi32>
    %shift_right_logical3A_124 = arith.constant 7 : i32
    %shift_right_logical3A_125 = vector.broadcast %shift_right_logical3A_124 : i32 to vector<16xi32>
    %shift_right_logical3A_126 = arith.shrui %get3A_115, %shift_right_logical3A_125 : vector<16xi32>
    %add3A_127 = arith.addi %mul3A_123, %shift_right_logical3A_126 : vector<16xi32>
    %swap3A_128 = arith.constant 96 : index
    %swap3A_129 = tpu.vector_load %arg5[%swap3A_128] {strides = array<i32>} : memref<128xi32, #tpu.memory_space<vmem>>, vector<16xi32>,
    %swap3A_130 = vector.shape_cast %swap3A_129 : vector<16xi32> to vector<16xi32>
    %swap3A_131 = vector.shape_cast %add3A_127 : vector<16xi32> to vector<16xi32>
    tpu.vector_store %arg5[%swap3A_128], %swap3A_131 {strides = array<i32>} : memref<128xi32, #tpu.memory_space<vmem>>, vector<16xi32>,
    %get3A_132 = arith.constant 112 : index
    %get3A_133 = tpu.vector_load %arg5[%get3A_132] {strides = array<i32>} : memref<128xi32, #tpu.memory_space<vmem>>, vector<16xi32>,
    %get3A_134 = vector.shape_cast %get3A_133 : vector<16xi32> to vector<16xi32>
    %add3A_135 = arith.constant 112 : i32
    %add3A_136 = arith.addi %mul3A_2, %add3A_135 : i32
    %iota3A_137 = tpu.iota {dimensions = array<i32: 0>} : vector<16xi32>
    %add3A_138 = vector.broadcast %add3A_136 : i32 to vector<16xi32>
    %add3A_139 = arith.addi %add3A_138, %iota3A_137 : vector<16xi32>
    %mul3A_140 = arith.constant 250 : i32
    %mul3A_141 = vector.broadcast %mul3A_140 : i32 to vector<16xi32>
    %mul3A_142 = arith.muli %add3A_139, %mul3A_141 : vector<16xi32>
    %shift_right_logical3A_143 = arith.constant 7 : i32
    %shift_right_logical3A_144 = vector.broadcast %shift_right_logical3A_143 : i32 to vector<16xi32>
    %shift_right_logical3A_145 = arith.shrui %get3A_134, %shift_right_logical3A_144 : vector<16xi32>
    %add3A_146 = arith.addi %mul3A_142, %shift_right_logical3A_145 : vector<16xi32>
    %swap3A_147 = arith.constant 112 : index
    %swap3A_148 = tpu.vector_load %arg5[%swap3A_147] {strides = array<i32>} : memref<128xi32, #tpu.memory_space<vmem>>, vector<16xi32>,
    %swap3A_149 = vector.shape_cast %swap3A_148 : vector<16xi32> to vector<16xi32>
    %swap3A_150 = vector.shape_cast %add3A_146 : vector<16xi32> to vector<16xi32>
    tpu.vector_store %arg5[%swap3A_147], %swap3A_150 {strides = array<i32>} : memref<128xi32, #tpu.memory_space<vmem>>, vector<16xi32>,
    %dma_start3A = arith.constant 0 : i32
    %dma_start3A_151 = arith.constant 0 : i32
    %dma_start3A_152 = tpu.memref_slice %arg2[%dma_start3A, %dma_start3A_151] : memref<1024000x128xf32, #tpu.memory_space<hbm>> -> memref<1024000x128xf32, #tpu.memory_space<hbm>>
    tpu.enqueue_indirect_dma source(%dma_start3A_152 : memref<1024000x128xf32, #tpu.memory_space<hbm>>) target(%arg6 : memref<128x128xf32, #tpu.memory_space<vmem>>) offsets(%arg5 : memref<128xi32, #tpu.memory_space<vmem>>) semaphore(%arg8 : memref<!tpu.dma_semaphore, #tpu.memory_space<semaphore_mem>>)
    %dma_wait3A = arith.constant 0 : i32
    %dma_wait3A_153 = arith.constant 0 : i32
    %dma_wait3A_154 = tpu.memref_slice %arg2[%dma_wait3A, %dma_wait3A_153] : memref<1024000x128xf32, #tpu.memory_space<hbm>> -> memref<1024000x128xf32, #tpu.memory_space<hbm>>
    tpu.wait_indirect_dma semaphore(%arg8 : memref<!tpu.dma_semaphore, #tpu.memory_space<semaphore_mem>>) src(%dma_wait3A_154 : memref<1024000x128xf32, #tpu.memory_space<hbm>>) dst(%arg6 : memref<128x128xf32, #tpu.memory_space<vmem>>)
    %get3A_155 = arith.constant 0 : i32
    %get3A_156 = arith.index_cast %get3A_155 : i32 to index
    %get3A_157 = arith.constant 0 : index
    %get3A_158 = tpu.vector_load %arg6[%get3A_156, %get3A_157] {strides = array<i32>} : memref<128x128xf32, #tpu.memory_space<vmem>>, vector<1x16xf32>,
    %get3A_159 = vector.shape_cast %get3A_158 : vector<1x16xf32> to vector<16xf32>
    %swap3A_160 = arith.constant 0 : index
    %swap3A_161 = tpu.vector_load %arg7[%swap3A_160] {strides = array<i32>} : memref<16xf32, #tpu.memory_space<vmem>>, vector<16xf32>,
    %swap3A_162 = vector.shape_cast %swap3A_161 : vector<16xf32> to vector<16xf32>
    %swap3A_163 = vector.shape_cast %get3A_159 : vector<16xf32> to vector<16xf32>
    tpu.vector_store %arg7[%swap3A_160], %swap3A_163 {strides = array<i32>} : memref<16xf32, #tpu.memory_space<vmem>>, vector<16xf32>,
    %mul3A_164 = arith.constant 16 : i32
    %mul3A_165 = arith.muli %add3A, %mul3A_164 : i32
    "tpu.region"() ({
      %run_scoped3A = tpu.sem_alloc : memref<!tpu.dma_semaphore, #tpu.memory_space<semaphore_mem>>
      %dma_start3A_166 = tpu.memref_slice %arg4[%mul3A_165] : memref<512xf32, #tpu.memory_space<hbm>> -> memref<16xf32, #tpu.memory_space<hbm>>
      %dma_start3A_167 = tpu.memref_slice %arg4[%mul3A_165] : memref<512xf32, #tpu.memory_space<hbm>> -> memref<16xf32, #tpu.memory_space<hbm>>
      tpu.enqueue_dma source(%arg7 : memref<16xf32, #tpu.memory_space<vmem>>) target(%dma_start3A_167 : memref<16xf32, #tpu.memory_space<hbm>>) target_semaphore(%run_scoped3A : memref<!tpu.dma_semaphore, #tpu.memory_space<semaphore_mem>>)
      %dma_wait3A_168 = tpu.memref_slice %arg4[%mul3A_165] : memref<512xf32, #tpu.memory_space<hbm>> -> memref<16xf32, #tpu.memory_space<hbm>>
      %dma_wait3A_169 = tpu.memref_slice %arg4[%mul3A_165] : memref<512xf32, #tpu.memory_space<hbm>> -> memref<16xf32, #tpu.memory_space<hbm>>
      tpu.wait_dma2 semaphore(%run_scoped3A : memref<!tpu.dma_semaphore, #tpu.memory_space<semaphore_mem>>) src(%arg7 : memref<16xf32, #tpu.memory_space<vmem>>) dst(%dma_wait3A_169 : memref<16xf32, #tpu.memory_space<hbm>>)
      tpu.yield
    }) : () -> ()
    return
  }
}

</mosaic_0001>

<sc_bundles>
// kernel: kernel.3.cloned.1.call-start
scs
__scs_entry_jumppad:
0x0: {  	(pc) =	sbr.rel $0x88, $3  }
0x1: {  	(tag) =	ssettag $0x0;
	lr =	simm.s32 $0x1  }
0x2: {  	[smem:$0x3F9F] =	sst lr;
	_ =	strace $0xD0000000  }
0x3: {  	_ = 	snop  }
0x4: {  	_ = 	snop  }
0x5: {  	_ = 	snop  }
0x6: {  	_ = 	snop  }
0x7: {  	_ = 	snop  }
__scs_overlays_trampoline_lowered:
0x8: {  	[smem:$0x3FAE] =	sst s0  }
0x9: {  	[smem:$0x3FAF] =	sst s1  }
0xa: {  	[smem:$0x3FB0] =	sst s2  }
0xb: {  	[smem:$0x3FB1] =	sst s3  }
0xc: {  	[smem:$0x3FB2] =	sst s4  }
0xd: {  	[smem:$0x3FB3] =	sst s5  }
0xe: {  	[smem:$0x3FB4] =	sst s6  }
0xf: {  	[smem:$0x3FB5] =	sst s7  }
0x10: {  	[smem:$0x3FB6] =	sst s8  }
0x11: {  	[smem:$0x3FB7] =	sst s9;
	s0 =	simm.s32 @!p0 $0x0  }
0x12: {  	s1 =	sld [smem:$0x3F9D];
	s0 =	simm.s32 @p0 $0x1  }
0x13: {  	[smem:$0x3FB8] =	sst s0;
	s0 =	simm.s32 @!p1 $0x0  }
0x14: {  	s2 =	sld [smem:$0x3F9C];
	s0 =	simm.s32 @p1 $0x1  }
0x15: {  	[smem:$0x3FB9] =	sst s0;
	s0 =	simm.s32 @!p2 $0x0  }
0x16: {  	s3 =	sld [smem:$0x3FDB];
	s0 =	simm.s32 @p2 $0x1  }
0x17: {  	s4 =	simm.s32 $0x1BF5;
	[smem:$0x3FBB] =	sst s0  }
0x18: {  	s0 =	sld [smem:$0x3F9E];
	_ =	swait.ge [sflag:s4], $0x0  }
0x19: {  	s7 =	sld [smem:$0x3F9F]  }
0x1a: {  	s8 =	sadd.s32 $0xFFFFE003, lr  }
0x1b: {  	s9 =	sadd.s32 $0xFFFFFEF7, lr;
	s5 =	simm.s32 $0xFFFFFFFF;
	p2 =	slt.u32 s8, $0xFFFFF086  }
0x1c: {  	p1 =	slt.u32 s9, $0xF7A;
	s5 =	simm.s32 @!p2 $0x0  }
0x1d: {  	s5 =	simm.s32 @p1 $0x1;
	p0 =	seq.s32 s7, s2  }
0x1e: {  	s7 =	smul.u32 @!p0 $0xF7A, s2;
	p2 =	seq.s32 @!p0 s5, $0x0  }
0x1f: {  	s9 =	smul.u32 $0xF7A, s1;
	s8 =	simm.s32 @!p0 $0x1BF5;
	p2 =	por !p2, p0  }
0x20: {  	[sflag:s8] =	ssyncset.s32 @!p0 $0xFFFFF086;
	s6 =	sadd.s32 @!p0 s3, s7;
	s7 =	simm.s32 @!p0 $0x108  }
0x21: {  	s3 =	sadd.s32 s3, s9;
	s6 =	sadd.s32 @!p0 $0x88, s6;
	s7 =	simm.s32 @p2 $0x1082  }
0x22: {  	[simem:s7], [sflag:s8] =	dma.local @!p0 [hbm:s6], $0xF7A  }
0x23: {  	s9 =	sor.u32 $0xD0000000, s2;
	s6 =	simm.s32 $0x108;
	_ =	swait.ge @!p0 [sflag:s8], $0x0  }
0x24: {  	s3 =	sadd.s32 $0x88, s3;
	s6 =	simm.s32 @!p1 $0x1082;
	[sflag:s4] =	ssyncset.s32 $0xFFFFF086  }
0x25: {  	[simem:s6], [sflag:s4] =	dma.local [hbm:s3], $0xF7A  }
0x26: {  	[smem:$0x3F9F] =	sst s1;
	(tag) =	ssettag s2;
	_ =	strace s9  }
0x27: {  	s1 =	sld [smem:$0x3FAF]  }
0x28: {  	s2 =	sld [smem:$0x3FB0]  }
0x29: {  	s4 =	sld [smem:$0x3FB2]  }
0x2a: {  	p0 =	seq.s32 s5, $0x0;
	s5 =	sld [smem:$0x3FB3]  }
0x2b: {  	s6 =	sld [smem:$0x3FB4]  }
0x2c: {  	s7 =	sld [smem:$0x3FB5]  }
0x2d: {  	s3 =	simm.s32 $0x108;
	s8 =	sld [smem:$0x3FB6]  }
0x2e: {  	s3 =	simm.s32 @!p0 $0x1082;
	s9 =	sld [smem:$0x3FB7]  }
0x2f: {  	lr =	sadd.s32 s0, s3;
	s0 =	sld [smem:$0x3FAE]  }
0x30: {  	s3 =	sld [smem:$0x3FB1]  }
0x31: {  	[smem:$0x3FBA] =	sst s10  }
0x32: {  	s10 =	sld [smem:$0x3FB8];
	_ =	sdelay $0x3  }
0x33: {  	p0 =	seq.s32 s10, $0x1;
	s10 =	sld [smem:$0x3FBA];
	_ =	sdelay $0x3  }
0x34: {  	[smem:$0x3FBA] =	sst s10  }
0x35: {  	s10 =	sld [smem:$0x3FB9];
	_ =	sdelay $0x3  }
0x36: {  	p1 =	seq.s32 s10, $0x1;
	s10 =	sld [smem:$0x3FBA];
	_ =	sdelay $0x3  }
0x37: {  	[smem:$0x3FBA] =	sst s10  }
0x38: {  	s10 =	sld [smem:$0x3FBB]  }
0x39: {  	_ = 	snop;
	(pc) =	sbr.ind lr, $3  }
0x3a: {  	_ = 	snop  }
0x3b: {  	_ = 	snop  }
0x3c: {  	p2 =	seq.s32 s10, $0x1;
	s10 =	sld [smem:$0x3FBA]  }
0x3d: {  	_ =	shalt  }
0x3e: {  	_ =	shalt  }
0x3f: {  	_ =	shalt  }
0x40: {  	_ =	shalt  }
0x41: {  	_ =	shalt  }
0x42: {  	_ =	shalt  }
0x43: {  	_ =	shalt  }
0x44: {  	_ =	shalt  }
0x45: {  	_ =	shalt  }
0x46: {  	_ =	shalt  }
0x47: {  	_ =	shalt  }
0x48: {  	_ =	shalt  }
0x49: {  	_ =	shalt  }
0x4a: {  	_ =	shalt  }
0x4b: {  	_ =	shalt  }
0x4c: {  	_ =	shalt  }
0x4d: {  	_ =	shalt  }
0x4e: {  	_ =	shalt  }
0x4f: {  	_ =	shalt  }
0x50: {  	_ =	shalt  }
0x51: {  	_ =	shalt  }
0x52: {  	_ =	shalt  }
0x53: {  	_ =	shalt  }
0x54: {  	_ =	shalt  }
0x55: {  	_ =	shalt  }
0x56: {  	_ =	shalt  }
0x57: {  	_ =	shalt  }
0x58: {  	_ =	shalt  }
0x59: {  	_ =	shalt  }
0x5a: {  	_ =	shalt  }
0x5b: {  	_ =	shalt  }
0x5c: {  	_ =	shalt  }
0x5d: {  	_ =	shalt  }
0x5e: {  	_ =	shalt  }
0x5f: {  	_ =	shalt  }
0x60: {  	_ =	shalt  }
0x61: {  	_ =	shalt  }
0x62: {  	_ =	shalt  }
0x63: {  	_ =	shalt  }
0x64: {  	_ =	shalt  }
0x65: {  	_ =	shalt  }
0x66: {  	_ =	shalt  }
0x67: {  	_ =	shalt  }
0x68: {  	_ =	shalt  }
0x69: {  	_ =	shalt  }
0x6a: {  	_ =	shalt  }
0x6b: {  	_ =	shalt  }
0x6c: {  	_ =	shalt  }
0x6d: {  	_ =	shalt  }
0x6e: {  	_ =	shalt  }
0x6f: {  	_ =	shalt  }
0x70: {  	_ =	shalt  }
0x71: {  	_ =	shalt  }
0x72: {  	_ =	shalt  }
0x73: {  	_ =	shalt  }
0x74: {  	_ =	shalt  }
0x75: {  	_ =	shalt  }
0x76: {  	_ =	shalt  }
0x77: {  	_ =	shalt  }
0x78: {  	_ =	shalt  }
0x79: {  	_ =	shalt  }
0x7a: {  	_ =	shalt  }
0x7b: {  	_ =	shalt  }
0x7c: {  	_ =	shalt  }
0x7d: {  	_ =	shalt  }
0x7e: {  	_ =	shalt  }
0x7f: {  	_ =	shalt  }
0x80: {  	_ =	shalt  }
0x81: {  	_ =	shalt  }
0x82: {  	_ =	shalt  }
0x83: {  	_ =	shalt  }
0x84: {  	_ =	shalt  }
0x85: {  	_ =	shalt  }
0x86: {  	_ =	shalt  }
0x87: {  	_ =	shalt  }
.Lfunc_end0:
.L_simem_size_0:
called_computation_lowered:
.L_overlay_start_0:
0x88: {  	s2 =	sld [smem:$0x3FD9]  }
0x89: {  	s3 =	sld [smem:$0x3FFE];
	_ =	sdelay $0x1  }
0x8a: {  	s1 =	srdreg.scid  }
0x8b: {  	s0 =	sand.u32 $0x1, s1  }
0x8c: {  	s17 =	sshll.u32 s0, $0xA;
	s2 =	sadd.s32 s3, s2  }
0x8d: {  	s2 =	sadd.s32 s2, s17  }
0x8e: {  	[smem:$0x3FC6] =	sst s2  }
0x8f: {  	_ = 	snop  }
0x90: {  	s2 =	sld [smem:$0x3FC8];
	(tm) =	ssettm $0x1  }
0x91: {  	s18 =	sld [smem:$0x3FFB];
	_ =	sdelay $0x3  }
0x92: {  	_ =	strace s18  }
0x93: {  	s3 =	sld [smem:$0x3FFC];
	_ =	sdelay $0x3  }
0x94: {  	_ =	strace s3  }
0x95: {  	s3 =	sld [smem:$0x3FFD];
	_ =	sdelay $0x3  }
0x96: {  	_ =	strace s3  }
0x97: {  	_ =	strace $0x8FFFFFFF  }
0x98: {  	s19 =	sld [smem:$0x3FDB];
	_ =	sdelay $0x1  }
0x99: {  	s4 =	simm.s32 $_scs_section_size  }
0x9a: {  	s5 =	simm.s32 $_size__tile_overlayer_lowered;
	s6 =	simm.s32 $_tile_overlayer_lowered  }
0x9b: {  	s22 =	simm.s32 $0x1BFF;
	s21 =	sshll.u32 s6, $0x1;
	s3 =	sadd.s32 s4, s19  }
0x9c: {  	s7 =	simm.s32 $0x0;
	s20 =	sshll.u32 s5, $0x1;
	s5 =	sadd.s32 s21, s3  }
0x9d: {  	[timem:s7], [sflag:s22] =	dma.local [hbm:s5], s20  }
0x9e: {  	_ =	swait.ge [sflag:s22], s20  }
0x9f: {  	s4 =	ssub.s32 $0x0, s20;
	[sflag:s22] =	ssyncset.done $0x0  }
0xa0: {  	[sflag:s22] =	ssyncadd.s32 s4;
	_ =	sdelay $0x1  }
0xa1: {  	s23 =	simm.s32 $0x1B8B  }
0xa2: {  	_ =	swait.ge [sflag:s23], $0x1  }
0xa3: {  	[sflag:s23] =	ssyncset.done $0x0  }
0xa4: {  	s25 =	simm.s32 $0x1B8E;
	s24 =	sld [smem:$0x3FFE];
	[sflag:s23] =	ssyncadd.s32 $0xFFFFFFFF  }
0xa5: {  	s26 =	simm.s32 $execute0_lowered;
	[smem:$0x3FD2] =	sst s25  }
0xa6: {  	s5 =	sshll.u32 s26, $0x1;
	_ =	strace $0x80000046;
	[dreg:$0x1] =	wrdreg $0xFFFFFFFF  }
0xa7: {  	s28 =	simm.s32 $_size_execute0_lowered;
	s3 =	sadd.s32 s3, s5;
	[dreg:$0x0] =	wrdreg $0x0  }
0xa8: {  	s5 =	sshll.u32 s28, $0x1;
	[dreg:$0x2] =	wrdreg s3  }
0xa9: {  	[dreg:$0x3] =	wrdreg s5  }
0xaa: {  	[dreg:$0x4] =	wrdreg $0xC0  }
0xab: {  	_ =	task [dreg:s7], $0x5FFFF  }
0xac: {  	[dreg:$0x1] =	wrdreg $0xFFFFFFFF  }
0xad: {  	[dreg:$0x0] =	wrdreg $0x60  }
0xae: {  	[dreg:$0x2] =	wrdreg s24  }
0xaf: {  	[dreg:$0x3] =	wrdreg s2  }
0xb0: {  	[dreg:$0x4] =	wrdreg $0x9  }
0xb1: {  	_ =	task.clear_ibuf [dreg:s7], $0x5FFFF;
	_ =	strace $0x90000046  }
0xb2: {  	s29 =	simm.s32 $0x9;
	_ =	strace $0x80000048  }
0xb3: {  	_ =	swait.ge [sflag:s29], $0x1  }
0xb4: {  	[sflag:s29] =	ssyncadd.s32 $0xFFFFFFFF  }
0xb5: {  	_ =	strace $0x90000048  }
0xb6: {  	_ =	sfence  }
0xb7: {  	s30 =	sld [smem:$0x0];
	_ =	sdelay $0x2  }
0xb8: {  	s31 =	sshll.u32 s1, $0xD;
	s1 =	sshrl.u32 s1, $0x2  }
0xb9: {  	s3 =	sand.u32 $0x4000, s31;
	s1 =	sadd.s32 s1, s30  }
0xba: {  	s0 =	sor.u32 s3, s0;
	s1 =	sshll.u32 s1, $0x11  }
0xbb: {  	s0 =	sor.u32 s1, s0  }
0xbc: {  	s0 =	sadd.s32 $0x8F2B, s0  }
0xbd: {  	[sflag:s0] =	ssyncadd.remote.s32 $0x1  }
0xbe: {  	_ =	sfence.sel $0xFFFF  }
0xbf: {  	[dreg:$0x0] =	wrdreg $0xFFFFFFFF;
	(pc) =	sbr.abs _section_cstart, $3  }
0xc0: {  	[dreg:$0x1] =	wrdreg $0xFFFFFFFF  }
0xc1: {  	_ =	task.clear_ibuf [dreg:s7], $0x2FFFF;
	_ =	strace $0x9FFFFFFF  }
0xc2: {  	(tm) =	ssettm $0x7FFFFFFF  }
0xc3: {  	_ =	shalt  }
tec
execute0_lowered:
.L_overlay_start_1:
0x0: {  	(tag) =	ssettag $0x1  }
0x1: {  	s2 =	rddreg [dreg:$0x0]  }
0x2: {  	s1 =	srdreg.scid;
	s0 =	stileid.u32  }
0x3: {  	s4 =	rddreg [dreg:$0x1];
	s7 =	sand.u32 $0x1, s1;
	s5 =	sshll.u32 s0, $0x1  }
0x4: {  	s3 =	simm.s32 $0x0;
	s1 =	rddreg [dreg:$0x2];
	s6 =	sor.u32 s7, s5  }
0x5: {  	[smem:$0x7FF] =	sst s3;
	s8 =	sshll.u32 s6, $0x7;
	s5 =	sshll.u32 s6, $0x4  }
0x6: {  	_ =	strace $0x80000047;
	s5 =	sadd.s32 s4, s5;
	s9 =	sor.u32 $0x10, s8  }
0x7: {  	s4 =	simm.s32 $0x2;
	s25 =	sor.u32 $0x20, s8;
	s26 =	sor.u32 $0x30, s8  }
0x8: {  	v1 =	vlaneseq.u32;
	v0 =	vmov s8;
	[tilespmem:s3], [sflag:$0x2] =	stream.linear.gather [hbm4b:s5+s3], $0x80, $0x38;
	[tilespmem:$0x4100] =	vst v63  }
0x9: {  	v7 =	vmul.u32 $0xFA, v1;
	s10 =	sor.u32 $0x40, s8;
	s28 =	sor.u32 $0x50, s8;
	v0 =	vmul.u32 $0xFA, v0;
	_ =	swait.ge [sflag:s4], $0x80  }
0xa: {  	s29 =	sor.u32 $0x60, s8;
	s8 =	sor.u32 $0x70, s8;
	v2 =	vmov s9;
	v3 =	vmov s26;
	v4 =	vmov s10;
	[sflag:s4] =	ssyncset.done $0x0  }
0xb: {  	v5 =	vmov s28;
	v12 =	vmov s29;
	v15 =	vmov s8;
	[sflag:s4] =	ssyncadd.s32 $0xFFFFFF80  }
0xc: {  	v1 =	vmul.u32 $0xFA, v2;
	v2 =	vmov s25;
	v3 =	vmul.u32 $0xFA, v3;
	v6 =	vld [tilespmem:$0x50]  }
0xd: {  	v4 =	vmul.u32 $0xFA, v4;
	v5 =	vmul.u32 $0xFA, v5;
	v0 =	vbroadcast v0, $0x0;
	v8 =	vld [tilespmem:$0x30]  }
0xe: {  	v2 =	vmul.u32 $0xFA, v2;
	v1 =	vbroadcast v1, $0x0;
	v3 =	vbroadcast v3, $0x0;
	v9 =	vld [tilespmem:$0x20]  }
0xf: {  	s7 =	ssub.s32 $0x2, s7;
	v12 =	vmul.u32 $0xFA, v12;
	v4 =	vbroadcast v4, $0x0;
	v5 =	vbroadcast v5, $0x0;
	v10 =	vld [tilespmem:$0x10]  }
0x10: {  	s30 =	sshrl.u32 s7, $0x1;
	v2 =	vbroadcast v2, $0x0;
	v0 =	vadd.s32 v7, v0;
	v11 =	vld [tilespmem:$0x40];
	v1 =	vadd.s32 v7, v1  }
0x11: {  	s7 =	ssub.s32 s7, s30;
	v13 =	vld [tilespmem:$0x0];
	v3 =	vadd.s32 v7, v3;
	v5 =	vadd.s32 v7, v5;
	v6 =	vshrl.u32 v6, $0x7  }
0x12: {  	s31 =	smax.u32 s7, $0x1;
	v14 =	vld [tilespmem:$0x60];
	v4 =	vadd.s32 v7, v4;
	v8 =	vshrl.u32 v8, $0x7;
	v6 =	vadd.s32 v6, v5  }
0x13: {  	p0 =	sne.s32 s31, $0x1;
	v16 =	vld [tilespmem:$0x70];
	v2 =	vadd.s32 v7, v2;
	v9 =	vshrl.u32 v9, $0x7;
	v8 =	vadd.s32 v8, v3;
	[tilespmem:$0x50] =	vst v6  }
.Ltmp0:
0x14: {  	v9 =	vadd.s32 v9, v2;
	[tilespmem:$0x30] =	vst v8;
	v6 =	vmul.u32 $0xFA, v15;
	v8 =	vshrl.u32 v10, $0x7;
	(pc) =	sbr.rel @!p0 .LBB2_2-.Ltmp0, $4  }
0x15: {  	s6 =	sshll.u32 s6, $0x1;
	v10 =	vbroadcast v12, $0x0;
	[tilespmem:$0x20] =	vst v9;
	v9 =	vshrl.u32 v11, $0x7;
	v8 =	vadd.s32 v8, v1  }
0x16: {  	s6 =	sadd.s32 s6, s2;
	v63 =	vshrl.u32 v13, $0x7;
	v11 =	vbroadcast v6, $0x0;
	[tilespmem:$0x10] =	vst v8;
	v8 =	vadd.s32 v9, v4  }
0x17: {  	s6 =	sadd.s32 $0xFA0000, s6;
	s7 =	simm.s32 $0x80;
	v6 =	vadd.s32 v7, v10;
	v9 =	vadd.s32 v63, v0;
	[tilespmem:$0x40] =	vst v8;
	v8 =	vshrl.u32 v14, $0x7  }
0x18: {  	s9 =	simm.s32 $0x1;
	s8 =	simm.s32 $0x4080;
	s10 =	sadd.s32 $0xFFFFFFFF, s31;
	[tilespmem:$0x0] =	vst v9;
	v9 =	vshrl.u32 v16, $0x7;
	v7 =	vadd.s32 v7, v11;
	v8 =	vadd.s32 v8, v6  }
.LBB2_1:
0x19: {  	p0 =	sne.s32 s10, $0x1;
	s10 =	sadd.s32 $0xFFFFFFFF, s10;
	[tilespmem:$0x60] =	vst v8;
	v8 =	vadd.s32 v9, v7  }
0x1a: {  	[tilespmem:$0x70] =	vst v8  }
0x1b: {  	[tilespmem:s7], [sflag:$0x1] =	stream.indirect.gather [hbm4b:s2+s7], $0x80, s3, s7, $0xb8;
	[tilespmem:$0x4100] =	vst v63  }
0x1c: {  	_ =	swait.ge [sflag:s9], $0x4000  }
0x1d: {  	[sflag:s9] =	ssyncset.done $0x0  }
0x1e: {  	[sflag:s9] =	ssyncadd.s32 $0xFFFFC000  }
0x1f: {  	v8 =	vld [tilespmem:$0x80];
	_ =	sdelay $0x4  }
0x20: {  	[tilespmem:$0x4080] =	vst v8  }
0x21: {  	[hbm4b:s6+s3] =	stream.linear.scatter [tilespmem:s8], [sflag:$0x2], $0x10, $0x38;
	[tilespmem:$0x4100] =	vst v63  }
0x22: {  	_ =	swait.ge [sflag:s4], $0x10  }
0x23: {  	[sflag:s4] =	ssyncset.done $0x0  }
0x24: {  	[sflag:s4] =	ssyncadd.s32 $0xFFFFFFF0  }
0x25: {  	[tilespmem:s3], [sflag:$0x2] =	stream.linear.gather [hbm4b:s5+s3], $0x80, $0x38;
	[tilespmem:$0x4100] =	vst v63  }
0x26: {  	_ =	swait.ge [sflag:s4], $0x80  }
0x27: {  	[sflag:s4] =	ssyncset.done $0x0  }
0x28: {  	[sflag:s4] =	ssyncadd.s32 $0xFFFFFF80  }
0x29: {  	v8 =	vld [tilespmem:$0x50]  }
0x2a: {  	v9 =	vld [tilespmem:$0x30]  }
0x2b: {  	v10 =	vld [tilespmem:$0x20]  }
0x2c: {  	v11 =	vld [tilespmem:$0x10]  }
0x2d: {  	v12 =	vld [tilespmem:$0x40]  }
0x2e: {  	v13 =	vld [tilespmem:$0x0];
	v8 =	vshrl.u32 v8, $0x7  }
0x2f: {  	v9 =	vshrl.u32 v9, $0x7;
	v8 =	vadd.s32 v8, v5;
	v14 =	vld [tilespmem:$0x60]  }
0x30: {  	v10 =	vshrl.u32 v10, $0x7;
	v9 =	vadd.s32 v9, v3;
	[tilespmem:$0x50] =	vst v8;
	v15 =	vld [tilespmem:$0x70]  }
.Ltmp1:
0x31: {  	v8 =	vshrl.u32 v11, $0x7;
	v10 =	vadd.s32 v10, v2;
	[tilespmem:$0x30] =	vst v9;
	(pc) =	sbr.rel @p0 .LBB2_1-.Ltmp1, $4  }
0x32: {  	v8 =	vadd.s32 v8, v1;
	[tilespmem:$0x20] =	vst v10;
	v9 =	vshrl.u32 v12, $0x7  }
0x33: {  	v10 =	vshrl.u32 v13, $0x7;
	[tilespmem:$0x10] =	vst v8;
	v8 =	vadd.s32 v9, v4  }
0x34: {  	v9 =	vadd.s32 v10, v0;
	[tilespmem:$0x40] =	vst v8;
	v8 =	vshrl.u32 v14, $0x7  }
0x35: {  	[tilespmem:$0x0] =	vst v9;
	v8 =	vadd.s32 v8, v6;
	v9 =	vshrl.u32 v15, $0x7  }
.LBB2_2:
0x36: {  	[tilespmem:$0x60] =	vst v8;
	v0 =	vadd.s32 v9, v7  }
0x37: {  	[tilespmem:$0x70] =	vst v0  }
0x38: {  	[tilespmem:s7], [sflag:$0x1] =	stream.indirect.gather [hbm4b:s2+s7], $0x80, s3, s7, $0xb8;
	[tilespmem:$0x4100] =	vst v63  }
0x39: {  	_ =	swait.ge [sflag:s9], $0x4000  }
0x3a: {  	[sflag:s9] =	ssyncset.done $0x0  }
0x3b: {  	[sflag:s9] =	ssyncadd.s32 $0xFFFFC000  }
0x3c: {  	v63 =	vld [tilespmem:$0x80];
	_ =	sdelay $0x4  }
0x3d: {  	[tilespmem:$0x4080] =	vst v63  }
0x3e: {  	[hbm4b:s6+s3] =	stream.linear.scatter [tilespmem:s8], [sflag:$0x2], $0x10, $0x38;
	[tilespmem:$0x4100] =	vst v63  }
0x3f: {  	_ =	swait.ge [sflag:s4], $0x10  }
0x40: {  	[sflag:s4] =	ssyncset.done $0x0  }
0x41: {  	[sflag:s4] =	ssyncadd.s32 $0xFFFFFFF0  }
0x42: {  	_ =	sfence.sel $0x180000  }
0x43: {  	[bflag:$0x0] =	sbarrier.arrive $0xFFFF  }
0x44: {  	p0 =	sne.s32 s0, $0x0;
	_ =	strace $0x90000047  }
0x45: {  	s0 =	sadd.s32 @!p0 $0x100000, s1;
	[bflag:$0x2] =	sbarrier.arrive $0xFFFF  }
0x46: {  	[sflag:s0] =	ssyncadd.tile.s32 @!p0 $0x1;
	_ =	shalt  }
.Lfunc_end2:
_tile_overlayer_lowered:
.L_overlay_start_2:
0x47: {  	(tag) =	ssettag $0x2  }
0x48: {  	s0 =	rddreg [dreg:$0x0];
	s2 =	stileid.u32  }
0x49: {  	s1 =	rddreg [dreg:$0x1];
	p0 =	sne.s32 s2, $0x0  }
0x4a: {  	s3 =	rddreg [dreg:$0x2];
	[bflag:$0x3] =	sbarrier.arrive $0xFFFF;
	s2 =	simm.s32 @!p0 $0x1C02  }
0x4b: {  	[timem:s3], [sflag:s2] =	dma.local @!p0 [hbm:s0], s1  }
0x4c: {  	s0 =	simm.s32 @!p0 $0x2  }
0x4d: {  	_ =	swait.ge @!p0 [sflag:s0], s1  }
0x4e: {  	s1 =	ssub.s32 @!p0 $0x0, s1;
	[sflag:s0] =	ssyncset.done @!p0 $0x0  }
0x4f: {  	[sflag:s0] =	ssyncadd.s32 @!p0 s1  }
0x50: {  	[bflag:$0x3] =	sbarrier.arrive $0xFFFF  }
0x51: {  	_ =	shalt  }

</sc_bundles>
